<compile_context>
chip_gen: v7x
topology: tpu7x:2x2x1
jax: 0.10.2.dev20260603
libtpu: 0.0.44.dev20260713+nightly
codegen_flags: <defaults>
</compile_context>

<pallas_src>
import functools

import jax
import jax.numpy as jnp
from jax import lax
from jax.experimental import pallas as pl
from jax.experimental.pallas import tpu as pltpu
from jax.experimental.pallas import tpu_sc as plsc

_B, _C, _H, _W = 16, 64, 32, 32
_HW = _H * _W
_K = 1024
_N = _B * _HW
_COMMIT = 0.25

_NC, _NS, _L = 2, 16, 16
_NWORK = _NC * _NS
_VPB = _HW // _L


_BPS = 4
_STEPS = _B // _BPS


def _argmin_body(x_ref, w_ref, b_ref, emb_ref, emb2_ref,
                 idx_ref, loss_ref, perp_ref, dsum_acc, counts_acc):
    g = pl.program_id(0)
    w = w_ref[...]
    emb = emb_ref[...]
    emb2 = emb2_ref[...]
    bias = b_ref[...]
    esq = jnp.sum(emb * emb, axis=1, keepdims=True)
    kiota = jax.lax.broadcasted_iota(jnp.int32, (_K, _HW), 0)

    dsum_g = jnp.float32(0.0)
    cnt_g = jnp.zeros((_K, 1), jnp.float32)
    for i in range(_BPS):
        x = x_ref[i]
        z = jax.lax.dot_general(w, x, (((1,), (0,)), ((), ()))) + bias
        zsq = jnp.sum(z * z, axis=0, keepdims=True)
        s2 = jax.lax.dot_general(emb2, z, (((1,), (0,)), ((), ())))
        dist = (zsq + esq) - s2
        m = jnp.min(dist, axis=0, keepdims=True)
        idxr = jnp.argmin(dist, axis=0)[None, :]
        idx_ref[i] = idxr
        dsum_g = dsum_g + jnp.sum(m)
        onehot = (kiota == idxr).astype(jnp.float32)
        cnt_g = cnt_g + jnp.sum(onehot, axis=1, keepdims=True)

    @pl.when(g == 0)
    def _init():
        dsum_acc[0] = dsum_g
        counts_acc[...] = cnt_g

    @pl.when(g > 0)
    def _acc():
        dsum_acc[0] = dsum_acc[0] + dsum_g
        counts_acc[...] = counts_acc[...] + cnt_g

    @pl.when(g == _STEPS - 1)
    def _fin():
        loss = (1.0 + _COMMIT) * dsum_acc[0] / float(_N * _C)
        loss_ref[...] = jnp.broadcast_to(loss, (1, 1))
        p = counts_acc[...] * (1.0 / float(_N))
        perp = jnp.exp(-jnp.sum(p * jnp.log(p + 1e-10)))
        perp_ref[...] = jnp.broadcast_to(perp, (1, 1))


def _tc_argmin(xr, W_lin, br, emb):
    return pl.pallas_call(
        _argmin_body,
        grid=(_STEPS,),
        in_specs=[
            pl.BlockSpec((_BPS, _C, _HW), lambda g: (g, 0, 0)),
            pl.BlockSpec((_C, _C), lambda g: (0, 0)),
            pl.BlockSpec((_C, 1), lambda g: (0, 0)),
            pl.BlockSpec((_K, _C), lambda g: (0, 0)),
            pl.BlockSpec((_K, _C), lambda g: (0, 0)),
        ],
        out_specs=[
            pl.BlockSpec((_BPS, 1, _HW), lambda g: (g, 0, 0)),
            pl.BlockSpec((1, 1), lambda g: (0, 0)),
            pl.BlockSpec((1, 1), lambda g: (0, 0)),
        ],
        out_shape=[
            jax.ShapeDtypeStruct((_B, 1, _HW), jnp.int32),
            jax.ShapeDtypeStruct((1, 1), jnp.float32),
            jax.ShapeDtypeStruct((1, 1), jnp.float32),
        ],
        scratch_shapes=[pltpu.SMEM((1,), jnp.float32),
                        pltpu.VMEM((_K, 1), jnp.float32)],
    )(xr, W_lin, br, emb, emb * 2.0)


_SC_MESH = plsc.VectorSubcoreMesh(
    core_axis_name="c", subcore_axis_name="s",
    num_cores=_NC, num_subcores=_NS)


@functools.partial(
    pl.kernel,
    out_type=jax.ShapeDtypeStruct((_B, _C, _HW), jnp.float32),
    mesh=_SC_MESH,
    compiler_params=pltpu.CompilerParams(needs_layout_passes=False),
    scratch_types=[
        pltpu.VMEM((2 * _K,), jnp.float32),
        pltpu.VMEM((_N,), jnp.int32),
        pltpu.VMEM((_B, 2, _HW), jnp.float32),
    ])
def _sc_gather(embT_hbm, idx_hbm, q_hbm, tab_v, idx_v, out_v):
    cid = lax.axis_index("c")
    sid = lax.axis_index("s")
    wid = cid * _NS + sid
    c0 = wid * 2

    pltpu.sync_copy(embT_hbm.at[pl.ds(c0 * _K, 2 * _K)], tab_v)
    pltpu.sync_copy(idx_hbm, idx_v)

    @plsc.parallel_loop(0, _N // _L, carry=jnp.int32(0))
    def _g(v, carry):
        iv = idx_v[pl.ds(v * _L, _L)]
        b = v // _VPB
        off = (v % _VPB) * _L
        out_v[b, 0, pl.ds(off, _L)] = plsc.load_gather(tab_v, [iv])
        out_v[b, 1, pl.ds(off, _L)] = plsc.load_gather(tab_v, [iv + _K])
        return carry

    pltpu.sync_copy(out_v, q_hbm.at[:, pl.ds(c0, 2), :])


@jax.jit
def kernel(x, W_lin, b_lin, emb):
    xr = x.reshape(_B, _C, _HW)
    br = b_lin.reshape(_C, 1)
    idx_o, loss, perp = _tc_argmin(xr, W_lin, br, emb)
    idx_flat = idx_o.reshape(_N)
    embT_flat = lax.reduce_precision(emb.T, exponent_bits=8,
                                     mantissa_bits=7).reshape(_C * _K)
    q = _sc_gather(embT_flat, idx_flat)
    return (loss[0, 0],
            q.reshape(_B, _C, _H, _W),
            perp[0, 0],
            idx_flat[:, None])

# --- scband reference (transcript-rebuilt; emitter-appended) ---
"""Pipeline reference for scband-vector-quantizer-69252052681260 (READ-ONLY COPY).

The authoritative reference and input builder live on the scoring server;
editing this copy changes nothing except your own understanding.
"""

import jax, jax.numpy as jnp
import numpy as np

B, C, H, W = 16, 64, 32, 32
K = 1024
COMMITMENT_COST = 0.25


def setup_inputs(seed: int = 0) -> dict:
    key = jax.random.key(seed)
    k1, k2, k3, k4 = jax.random.split(key, 4)
    x = jax.random.normal(k1, (B, C, H, W), dtype=jnp.float32)
    W_lin = jax.random.normal(k2, (C, C), dtype=jnp.float32) * 0.05
    b_lin = jnp.zeros((C,), dtype=jnp.float32)
    emb = jax.random.normal(k4, (K, C), dtype=jnp.float32) * 0.05
    return {"x": x, "W_lin": W_lin, "b_lin": b_lin, "emb": emb}


def reference(x, W_lin, b_lin, emb):
    # permute NCHW -> NHWC
    inputs = jnp.transpose(x, (0, 2, 3, 1))
    # linear projection
    inputs = inputs @ W_lin.T + b_lin
    flat_input = inputs.reshape(-1, inputs.shape[-1])
    # squared L2 distances to codebook entries
    distances = (jnp.sum(flat_input ** 2, axis=1, keepdims=True)
                 + jnp.sum(emb ** 2, axis=1)
                 - 2.0 * flat_input @ emb.T)
    encoding_indices = jnp.argmin(distances, axis=1)
    encodings = jax.nn.one_hot(encoding_indices, emb.shape[0], dtype=jnp.float32)
    quantized = (encodings @ emb).reshape(inputs.shape)
    e_latent_loss = jnp.mean((jax.lax.stop_gradient(quantized) - inputs) ** 2)
    q_latent_loss = jnp.mean((quantized - jax.lax.stop_gradient(inputs)) ** 2)
    loss = q_latent_loss + COMMITMENT_COST * e_latent_loss
    # straight-through estimator
    quantized_st = inputs + jax.lax.stop_gradient(quantized - inputs)
    avg_probs = jnp.mean(encodings, axis=0)
    perplexity = jnp.exp(-jnp.sum(avg_probs * jnp.log(avg_probs + 1e-10)))
    return (loss,
            jnp.transpose(quantized_st, (0, 3, 1, 2)),
            perplexity,
            encoding_indices[:, None])

if __name__ == "__main__":
    import jax
    _d = setup_inputs()
    print(jax.jit(kernel)(*tuple(_d.values())))

</pallas_src>

<mosaic_0001>
#map = affine_map<(d0, d1) -> (0)>
#map1 = affine_map<(d0, d1) -> (0, 0, 0)>
module attributes {stable_mosaic.version = 14 : i64} {
  func.func @_sc_gather(%arg0: i32, %arg1: i32, %arg2: memref<65536xf32, #tpu.memory_space<hbm>>, %arg3: memref<16384xi32, #tpu.memory_space<hbm>>, %arg4: memref<16x64x1024xf32, #tpu.memory_space<hbm>>, %arg5: memref<2048xf32, #tpu.memory_space<vmem>>, %arg6: memref<16384xi32, #tpu.memory_space<vmem>>, %arg7: memref<16x2x1024xf32, #tpu.memory_space<vmem>>) attributes {dimension_semantics = [#tpu.dimension_semantics<core_parallel>, #tpu.dimension_semantics<subcore_parallel>], iteration_bounds = array<i64: 2, 16>, scalar_prefetch = 0 : i64, scratch_operands = 3 : i64, tpu.core_type = #tpu.core_type<sc_vector_subcore>, window_params = [{transform_indices = #map}, {transform_indices = #map}, {transform_indices = #map1}]} {
    %mul3A = arith.constant 16 : i32
    %mul3A_0 = arith.muli %arg0, %mul3A : i32
    %add3A = arith.addi %mul3A_0, %arg1 : i32
    %mul3A_1 = arith.constant 2 : i32
    %mul3A_2 = arith.muli %add3A, %mul3A_1 : i32
    %mul3A_3 = arith.constant 1024 : i32
    %mul3A_4 = arith.muli %mul3A_2, %mul3A_3 : i32
    "tpu.region"() ({
      %run_scoped3A = tpu.sem_alloc : memref<!tpu.dma_semaphore, #tpu.memory_space<semaphore_mem>>
      %dma_start3A = tpu.memref_slice %arg2[%mul3A_4] : memref<65536xf32, #tpu.memory_space<hbm>> -> memref<2048xf32, #tpu.memory_space<hbm>>
      %dma_start3A_9 = tpu.memref_slice %arg2[%mul3A_4] : memref<65536xf32, #tpu.memory_space<hbm>> -> memref<2048xf32, #tpu.memory_space<hbm>>
      tpu.enqueue_dma source(%dma_start3A_9 : memref<2048xf32, #tpu.memory_space<hbm>>) target(%arg5 : memref<2048xf32, #tpu.memory_space<vmem>>) target_semaphore(%run_scoped3A : memref<!tpu.dma_semaphore, #tpu.memory_space<semaphore_mem>>)
      %dma_wait3A = tpu.memref_slice %arg2[%mul3A_4] : memref<65536xf32, #tpu.memory_space<hbm>> -> memref<2048xf32, #tpu.memory_space<hbm>>
      %dma_wait3A_10 = tpu.memref_slice %arg2[%mul3A_4] : memref<65536xf32, #tpu.memory_space<hbm>> -> memref<2048xf32, #tpu.memory_space<hbm>>
      tpu.wait_dma2 semaphore(%run_scoped3A : memref<!tpu.dma_semaphore, #tpu.memory_space<semaphore_mem>>) src(%dma_wait3A_10 : memref<2048xf32, #tpu.memory_space<hbm>>) dst(%arg5 : memref<2048xf32, #tpu.memory_space<vmem>>)
      tpu.yield
    }) : () -> ()
    "tpu.region"() ({
      %run_scoped3A = tpu.sem_alloc : memref<!tpu.dma_semaphore, #tpu.memory_space<semaphore_mem>>
      tpu.enqueue_dma source(%arg3 : memref<16384xi32, #tpu.memory_space<hbm>>) target(%arg6 : memref<16384xi32, #tpu.memory_space<vmem>>) target_semaphore(%run_scoped3A : memref<!tpu.dma_semaphore, #tpu.memory_space<semaphore_mem>>)
      tpu.wait_dma2 semaphore(%run_scoped3A : memref<!tpu.dma_semaphore, #tpu.memory_space<semaphore_mem>>) src(%arg3 : memref<16384xi32, #tpu.memory_space<hbm>>) dst(%arg6 : memref<16384xi32, #tpu.memory_space<vmem>>)
      tpu.yield
    }) : () -> ()
    %parallel_loop3A = arith.constant 0 : i32
    %parallel_loop3A_5 = arith.constant 1024 : i32
    %parallel_loop3A_6 = arith.constant 1 : i32
    %parallel_loop3A_7 = arith.constant 0 : i32
    %parallel_loop3A_8 = scf.for %parallel_loop3A_9 = %parallel_loop3A to %parallel_loop3A_5 step %parallel_loop3A_6 iter_args(%parallel_loop3A_10 = %parallel_loop3A_7) -> (i32)  : i32 {
      %parallel_loop3A_11 = arith.constant 16 : i32
      %parallel_loop3A_12 = arith.muli %parallel_loop3A_9, %parallel_loop3A_11 : i32
      %parallel_loop3A_13 = arith.index_cast %parallel_loop3A_12 : i32 to index
      %parallel_loop3A_14 = tpu.vector_load %arg6[%parallel_loop3A_13] {strides = array<i32>} : memref<16384xi32, #tpu.memory_space<vmem>>, vector<16xi32>,
      %parallel_loop3A_15 = arith.constant 64 : i32
      %parallel_loop3A_16 = arith.divsi %parallel_loop3A_9, %parallel_loop3A_15 : i32
      %parallel_loop3A_17 = arith.constant 0 : i32
      %parallel_loop3A_18 = arith.cmpi sgt, %parallel_loop3A_9, %parallel_loop3A_17 : i32
      %parallel_loop3A_19 = arith.extui %parallel_loop3A_18 : i1 to i32
      %parallel_loop3A_20 = arith.constant 0 : i32
      %parallel_loop3A_21 = arith.cmpi slt, %parallel_loop3A_9, %parallel_loop3A_20 : i32
      %parallel_loop3A_22 = arith.extui %parallel_loop3A_21 : i1 to i32
      %parallel_loop3A_23 = arith.subi %parallel_loop3A_19, %parallel_loop3A_22 : i32
      %parallel_loop3A_24 = arith.constant 0 : i32
      %parallel_loop3A_25 = arith.cmpi sgt, %parallel_loop3A_15, %parallel_loop3A_24 : i32
      %parallel_loop3A_26 = arith.extui %parallel_loop3A_25 : i1 to i32
      %parallel_loop3A_27 = arith.constant 0 : i32
      %parallel_loop3A_28 = arith.cmpi slt, %parallel_loop3A_15, %parallel_loop3A_27 : i32
      %parallel_loop3A_29 = arith.extui %parallel_loop3A_28 : i1 to i32
      %parallel_loop3A_30 = arith.subi %parallel_loop3A_26, %parallel_loop3A_29 : i32
      %parallel_loop3A_31 = arith.cmpi ne, %parallel_loop3A_23, %parallel_loop3A_30 : i32
      %parallel_loop3A_32 = arith.remsi %parallel_loop3A_9, %parallel_loop3A_15 : i32
      %parallel_loop3A_33 = arith.constant 0 : i32
      %parallel_loop3A_34 = arith.cmpi ne, %parallel_loop3A_32, %parallel_loop3A_33 : i32
      %parallel_loop3A_35 = arith.andi %parallel_loop3A_31, %parallel_loop3A_34 : i1
      %parallel_loop3A_36 = arith.constant 1 : i32
      %parallel_loop3A_37 = arith.subi %parallel_loop3A_16, %parallel_loop3A_36 : i32
      %parallel_loop3A_38 = arith.select %parallel_loop3A_35, %parallel_loop3A_37, %parallel_loop3A_16 : i32
      %parallel_loop3A_39 = arith.constant 64 : i32
      %parallel_loop3A_40 = arith.constant 0 : i32
      %parallel_loop3A_41 = arith.cmpi eq, %parallel_loop3A_39, %parallel_loop3A_40 : i32
      %parallel_loop3A_42 = arith.constant 1 : i32
      %parallel_loop3A_43 = arith.select %parallel_loop3A_41, %parallel_loop3A_42, %parallel_loop3A_39 : i32
      %parallel_loop3A_44 = arith.remsi %parallel_loop3A_9, %parallel_loop3A_43 : i32
      %parallel_loop3A_45 = arith.constant 0 : i32
      %parallel_loop3A_46 = arith.cmpi ne, %parallel_loop3A_44, %parallel_loop3A_45 : i32
      %parallel_loop3A_47 = arith.constant 0 : i32
      %parallel_loop3A_48 = arith.cmpi slt, %parallel_loop3A_44, %parallel_loop3A_47 : i32
      %parallel_loop3A_49 = arith.constant 0 : i32
      %parallel_loop3A_50 = arith.cmpi slt, %parallel_loop3A_43, %parallel_loop3A_49 : i32
      %parallel_loop3A_51 = arith.xori %parallel_loop3A_48, %parallel_loop3A_50 : i1
      %parallel_loop3A_52 = arith.andi %parallel_loop3A_51, %parallel_loop3A_46 : i1
      %parallel_loop3A_53 = arith.addi %parallel_loop3A_44, %parallel_loop3A_43 : i32
      %parallel_loop3A_54 = arith.select %parallel_loop3A_52, %parallel_loop3A_53, %parallel_loop3A_44 : i32
      %parallel_loop3A_55 = arith.constant 16 : i32
      %parallel_loop3A_56 = arith.muli %parallel_loop3A_54, %parallel_loop3A_55 : i32
      %parallel_loop3A_57 = tpu.vector_load_idx %arg5[%parallel_loop3A_14] : memref<2048xf32, #tpu.memory_space<vmem>>[vector<16xi32>], vector<16xf32>,
      %parallel_loop3A_58 = arith.constant 0 : i32
      %parallel_loop3A_59 = arith.index_cast %parallel_loop3A_38 : i32 to index
      %parallel_loop3A_60 = arith.index_cast %parallel_loop3A_58 : i32 to index
      %parallel_loop3A_61 = arith.index_cast %parallel_loop3A_56 : i32 to index
      %parallel_loop3A_62 = tpu.vector_load %arg7[%parallel_loop3A_59, %parallel_loop3A_60, %parallel_loop3A_61] {strides = array<i32>} : memref<16x2x1024xf32, #tpu.memory_space<vmem>>, vector<16xf32>,
      tpu.vector_store %arg7[%parallel_loop3A_59, %parallel_loop3A_60, %parallel_loop3A_61], %parallel_loop3A_57 {strides = array<i32>} : memref<16x2x1024xf32, #tpu.memory_space<vmem>>, vector<16xf32>,
      %parallel_loop3A_63 = arith.constant 1024 : i32
      %parallel_loop3A_64 = vector.broadcast %parallel_loop3A_63 : i32 to vector<16xi32>
      %parallel_loop3A_65 = arith.addi %parallel_loop3A_14, %parallel_loop3A_64 : vector<16xi32>
      %parallel_loop3A_66 = tpu.vector_load_idx %arg5[%parallel_loop3A_65] : memref<2048xf32, #tpu.memory_space<vmem>>[vector<16xi32>], vector<16xf32>,
      %parallel_loop3A_67 = arith.constant 1 : i32
      %parallel_loop3A_68 = arith.index_cast %parallel_loop3A_38 : i32 to index
      %parallel_loop3A_69 = arith.index_cast %parallel_loop3A_67 : i32 to index
      %parallel_loop3A_70 = arith.index_cast %parallel_loop3A_56 : i32 to index
      %parallel_loop3A_71 = tpu.vector_load %arg7[%parallel_loop3A_68, %parallel_loop3A_69, %parallel_loop3A_70] {strides = array<i32>} : memref<16x2x1024xf32, #tpu.memory_space<vmem>>, vector<16xf32>,
      tpu.vector_store %arg7[%parallel_loop3A_68, %parallel_loop3A_69, %parallel_loop3A_70], %parallel_loop3A_66 {strides = array<i32>} : memref<16x2x1024xf32, #tpu.memory_space<vmem>>, vector<16xf32>,
      scf.yield %parallel_loop3A_10 : i32
    } {sc.loop_unroll_factor = 1 : i64, sc.parallel_access}
    "tpu.region"() ({
      %run_scoped3A = tpu.sem_alloc : memref<!tpu.dma_semaphore, #tpu.memory_space<semaphore_mem>>
      %dma_start3A = arith.constant 0 : i32
      %dma_start3A_9 = arith.constant 0 : i32
      %dma_start3A_10 = tpu.memref_slice %arg4[%dma_start3A, %mul3A_2, %dma_start3A_9] : memref<16x64x1024xf32, #tpu.memory_space<hbm>> -> memref<16x2x1024xf32, #tpu.memory_space<hbm>>
      %dma_start3A_11 = arith.constant 0 : i32
      %dma_start3A_12 = arith.constant 0 : i32
      %dma_start3A_13 = tpu.memref_slice %arg4[%dma_start3A_11, %mul3A_2, %dma_start3A_12] : memref<16x64x1024xf32, #tpu.memory_space<hbm>> -> memref<16x2x1024xf32, #tpu.memory_space<hbm>>
      tpu.enqueue_dma source(%arg7 : memref<16x2x1024xf32, #tpu.memory_space<vmem>>) target(%dma_start3A_13 : memref<16x2x1024xf32, #tpu.memory_space<hbm>>) target_semaphore(%run_scoped3A : memref<!tpu.dma_semaphore, #tpu.memory_space<semaphore_mem>>)
      %dma_wait3A = arith.constant 0 : i32
      %dma_wait3A_14 = arith.constant 0 : i32
      %dma_wait3A_15 = tpu.memref_slice %arg4[%dma_wait3A, %mul3A_2, %dma_wait3A_14] : memref<16x64x1024xf32, #tpu.memory_space<hbm>> -> memref<16x2x1024xf32, #tpu.memory_space<hbm>>
      %dma_wait3A_16 = arith.constant 0 : i32
      %dma_wait3A_17 = arith.constant 0 : i32
      %dma_wait3A_18 = tpu.memref_slice %arg4[%dma_wait3A_16, %mul3A_2, %dma_wait3A_17] : memref<16x64x1024xf32, #tpu.memory_space<hbm>> -> memref<16x2x1024xf32, #tpu.memory_space<hbm>>
      tpu.wait_dma2 semaphore(%run_scoped3A : memref<!tpu.dma_semaphore, #tpu.memory_space<semaphore_mem>>) src(%arg7 : memref<16x2x1024xf32, #tpu.memory_space<vmem>>) dst(%dma_wait3A_18 : memref<16x2x1024xf32, #tpu.memory_space<hbm>>)
      tpu.yield
    }) : () -> ()
    return
  }
}

module attributes {stable_mosaic.version = 14 : i64} {
  func.func @_argmin_body(%arg0: i32, %arg1: memref<4x64x1024xf32, #tpu.memory_space<vmem>>, %arg2: memref<64x64xf32, #tpu.memory_space<vmem>>, %arg3: memref<64x1xf32, #tpu.memory_space<vmem>>, %arg4: memref<1024x64xf32, #tpu.memory_space<vmem>>, %arg5: memref<1024x64xf32, #tpu.memory_space<vmem>>, %arg6: memref<4x1x1024xi32, #tpu.memory_space<vmem>>, %arg7: memref<1x1xf32, #tpu.memory_space<vmem>>, %arg8: memref<1x1xf32, #tpu.memory_space<vmem>>, %arg9: memref<1xf32, #tpu.memory_space<smem>>, %arg10: memref<1024x1xf32, #tpu.memory_space<vmem>>) attributes {dimension_semantics = [#tpu.dimension_semantics<arbitrary>], iteration_bounds = array<i64: 4>, scalar_prefetch = 0 : i64, scratch_operands = 2 : i64, tpu.core_type = #tpu.core_type<tc>, window_params = [{transform_indices = @transform_0, window_bounds = array<i64: 4, 64, 1024>}, {pipeline_mode = #tpu.pipeline_mode<synchronous>, transform_indices = @transform_1, window_bounds = array<i64: 64, 64>}, {pipeline_mode = #tpu.pipeline_mode<synchronous>, transform_indices = @transform_2, window_bounds = array<i64: 64, 1>}, {pipeline_mode = #tpu.pipeline_mode<synchronous>, transform_indices = @transform_3, window_bounds = array<i64: 1024, 64>}, {pipeline_mode = #tpu.pipeline_mode<synchronous>, transform_indices = @transform_4, window_bounds = array<i64: 1024, 64>}, {transform_indices = @transform_5, window_bounds = array<i64: 4, 1, 1024>}, {pipeline_mode = #tpu.pipeline_mode<synchronous>, transform_indices = @transform_6, window_bounds = array<i64: 1, 1>}, {pipeline_mode = #tpu.pipeline_mode<synchronous>, transform_indices = @transform_7, window_bounds = array<i64: 1, 1>}]} {
    %get3A = arith.constant 0 : index
    %get3A_0 = arith.constant 0 : index
    %get3A_1 = vector.load %arg2[%get3A, %get3A_0] : memref<64x64xf32, #tpu.memory_space<vmem>>, vector<64x64xf32>
    %get3A_2 = arith.constant 0 : index
    %get3A_3 = arith.constant 0 : index
    %get3A_4 = vector.load %arg4[%get3A_2, %get3A_3] : memref<1024x64xf32, #tpu.memory_space<vmem>>, vector<1024x64xf32>
    %get3A_5 = arith.constant 0 : index
    %get3A_6 = arith.constant 0 : index
    %get3A_7 = vector.load %arg5[%get3A_5, %get3A_6] : memref<1024x64xf32, #tpu.memory_space<vmem>>, vector<1024x64xf32>
    %get3A_8 = arith.constant 0 : index
    %get3A_9 = arith.constant 0 : index
    %get3A_10 = vector.load %arg3[%get3A_8, %get3A_9] : memref<64x1xf32, #tpu.memory_space<vmem>>, vector<64x1xf32>
    %mul3A = arith.mulf %get3A_4, %get3A_4 : vector<1024x64xf32>
    %reduce_sum3A = arith.constant dense<0.000000e+00> : vector<1024xf32>
    %reduce_sum3A_11 = vector.multi_reduction <add>, %mul3A, %reduce_sum3A [1] : vector<1024x64xf32> to vector<1024xf32>
    %broadcast_in_dim3A = vector.shape_cast %reduce_sum3A_11 : vector<1024xf32> to vector<1024x1xf32>
    %iota3A = tpu.iota {dimensions = array<i32: 0>} : vector<1024x1024xi32>
    %broadcast_in_dim3A_12 = arith.constant 0.000000e+00 : f32
    %broadcast_in_dim3A_13 = vector.broadcast %broadcast_in_dim3A_12 : f32 to vector<1024x1xf32>
    %get3A_14 = arith.constant 0 : index
    %get3A_15 = arith.constant 0 : index
    %get3A_16 = arith.constant 0 : index
    %get3A_17 = vector.load %arg1[%get3A_14, %get3A_15, %get3A_16] : memref<4x64x1024xf32, #tpu.memory_space<vmem>>, vector<1x64x1024xf32>
    %get3A_18 = vector.shape_cast %get3A_17 : vector<1x64x1024xf32> to vector<64x1024xf32>
    %dot_general3A = arith.constant dense<0.000000e+00> : vector<64x1024xf32>
    %dot_general3A_19 = tpu.matmul %get3A_1, %get3A_18, %dot_general3A {dimension_numbers = #tpu.dot_dimension_numbers<[1], [0], [0], [1], [0, 0, 1, 1], [], []>, transpose_lhs_hint = false} : vector<64x64xf32>, vector<64x1024xf32>, vector<64x1024xf32> -> vector<64x1024xf32>
    %add3A = vector.broadcast %get3A_10 : vector<64x1xf32> to vector<64x1024xf32>
    %add3A_20 = arith.addf %dot_general3A_19, %add3A : vector<64x1024xf32>
    %mul3A_21 = arith.mulf %add3A_20, %add3A_20 : vector<64x1024xf32>
    %reduce_sum3A_22 = arith.constant dense<0.000000e+00> : vector<1024xf32>
    %reduce_sum3A_23 = vector.multi_reduction <add>, %mul3A_21, %reduce_sum3A_22 [0] : vector<64x1024xf32> to vector<1024xf32>
    %broadcast_in_dim3A_24 = vector.shape_cast %reduce_sum3A_23 : vector<1024xf32> to vector<1x1024xf32>
    %dot_general3A_25 = arith.constant dense<0.000000e+00> : vector<1024x1024xf32>
    %dot_general3A_26 = tpu.matmul %get3A_7, %add3A_20, %dot_general3A_25 {dimension_numbers = #tpu.dot_dimension_numbers<[1], [0], [0], [1], [0, 0, 1, 1], [], []>, transpose_lhs_hint = false} : vector<1024x64xf32>, vector<64x1024xf32>, vector<1024x1024xf32> -> vector<1024x1024xf32>
    %add3A_27 = vector.broadcast %broadcast_in_dim3A_24 : vector<1x1024xf32> to vector<1024x1024xf32>
    %add3A_28 = vector.broadcast %broadcast_in_dim3A : vector<1024x1xf32> to vector<1024x1024xf32>
    %add3A_29 = arith.addf %add3A_27, %add3A_28 : vector<1024x1024xf32>
    %sub3A = arith.subf %add3A_29, %dot_general3A_26 : vector<1024x1024xf32>
    %reduce_min3A = arith.constant dense<0x7F800000> : vector<1024xf32>
    %reduce_min3A_30 = vector.multi_reduction <minimumf>, %sub3A, %reduce_min3A [0] : vector<1024x1024xf32> to vector<1024xf32>
    %broadcast_in_dim3A_31 = vector.shape_cast %reduce_min3A_30 : vector<1024xf32> to vector<1x1024xf32>
    %argmin3A = tpu.reduce_index %sub3A {axis = 0 : i32, kind = #tpu.reduction_kind<arg_min>} : vector<1024x1024xf32> -> vector<1024xi32>
    %broadcast_in_dim3A_32 = vector.shape_cast %argmin3A : vector<1024xi32> to vector<1x1024xi32>
    %swap3A = arith.constant 0 : index
    %swap3A_33 = arith.constant 0 : index
    %swap3A_34 = arith.constant 0 : index
    %swap3A_35 = vector.load %arg6[%swap3A, %swap3A_33, %swap3A_34] : memref<4x1x1024xi32, #tpu.memory_space<vmem>>, vector<1x1x1024xi32>
    %swap3A_36 = vector.shape_cast %swap3A_35 : vector<1x1x1024xi32> to vector<1x1024xi32>
    %swap3A_37 = vector.shape_cast %broadcast_in_dim3A_32 : vector<1x1024xi32> to vector<1x1x1024xi32>
    tpu.vector_store %arg6[%swap3A, %swap3A_33, %swap3A_34], %swap3A_37 {strides = array<i32>} : memref<4x1x1024xi32, #tpu.memory_space<vmem>>, vector<1x1x1024xi32>,
    %reduce_sum3A_38 = vector.shape_cast %broadcast_in_dim3A_31 : vector<1x1024xf32> to vector<1x1x1024xf32>
    %reduce_sum3A_39 = arith.constant dense<0.000000e+00> : vector<1xf32>
    %reduce_sum3A_40 = vector.multi_reduction <add>, %reduce_sum3A_38, %reduce_sum3A_39 [1, 2] : vector<1x1x1024xf32> to vector<1xf32>
    %reduce_sum3A_41 = vector.shape_cast %reduce_sum3A_40 : vector<1xf32> to vector<1x1x1xf32>
    %reduce_sum3A_42 = vector.extract %reduce_sum3A_41[0, 0, 0] : f32 from vector<1x1x1xf32>
    %add3A_43 = arith.constant 0.000000e+00 : f32
    %add3A_44 = arith.addf %add3A_43, %reduce_sum3A_42 : f32
    %eq3A = vector.broadcast %broadcast_in_dim3A_32 : vector<1x1024xi32> to vector<1024x1024xi32>
    %eq3A_45 = arith.cmpi eq, %iota3A, %eq3A : vector<1024x1024xi32>
    %convert_element_type3A = arith.extui %eq3A_45 : vector<1024x1024xi1> to vector<1024x1024xi32>
    %convert_element_type3A_46 = arith.sitofp %convert_element_type3A : vector<1024x1024xi32> to vector<1024x1024xf32>
    %reduce_sum3A_47 = arith.constant dense<0.000000e+00> : vector<1024xf32>
    %reduce_sum3A_48 = vector.multi_reduction <add>, %convert_element_type3A_46, %reduce_sum3A_47 [1] : vector<1024x1024xf32> to vector<1024xf32>
    %broadcast_in_dim3A_49 = vector.shape_cast %reduce_sum3A_48 : vector<1024xf32> to vector<1024x1xf32>
    %add3A_50 = arith.addf %broadcast_in_dim3A_13, %broadcast_in_dim3A_49 : vector<1024x1xf32>
    %get3A_51 = arith.constant 1 : index
    %get3A_52 = arith.constant 0 : index
    %get3A_53 = arith.constant 0 : index
    %get3A_54 = vector.load %arg1[%get3A_51, %get3A_52, %get3A_53] : memref<4x64x1024xf32, #tpu.memory_space<vmem>>, vector<1x64x1024xf32>
    %get3A_55 = vector.shape_cast %get3A_54 : vector<1x64x1024xf32> to vector<64x1024xf32>
    %dot_general3A_56 = arith.constant dense<0.000000e+00> : vector<64x1024xf32>
    %dot_general3A_57 = tpu.matmul %get3A_1, %get3A_55, %dot_general3A_56 {dimension_numbers = #tpu.dot_dimension_numbers<[1], [0], [0], [1], [0, 0, 1, 1], [], []>, transpose_lhs_hint = false} : vector<64x64xf32>, vector<64x1024xf32>, vector<64x1024xf32> -> vector<64x1024xf32>
    %add3A_58 = vector.broadcast %get3A_10 : vector<64x1xf32> to vector<64x1024xf32>
    %add3A_59 = arith.addf %dot_general3A_57, %add3A_58 : vector<64x1024xf32>
    %mul3A_60 = arith.mulf %add3A_59, %add3A_59 : vector<64x1024xf32>
    %reduce_sum3A_61 = arith.constant dense<0.000000e+00> : vector<1024xf32>
    %reduce_sum3A_62 = vector.multi_reduction <add>, %mul3A_60, %reduce_sum3A_61 [0] : vector<64x1024xf32> to vector<1024xf32>
    %broadcast_in_dim3A_63 = vector.shape_cast %reduce_sum3A_62 : vector<1024xf32> to vector<1x1024xf32>
    %dot_general3A_64 = arith.constant dense<0.000000e+00> : vector<1024x1024xf32>
    %dot_general3A_65 = tpu.matmul %get3A_7, %add3A_59, %dot_general3A_64 {dimension_numbers = #tpu.dot_dimension_numbers<[1], [0], [0], [1], [0, 0, 1, 1], [], []>, transpose_lhs_hint = false} : vector<1024x64xf32>, vector<64x1024xf32>, vector<1024x1024xf32> -> vector<1024x1024xf32>
    %add3A_66 = vector.broadcast %broadcast_in_dim3A_63 : vector<1x1024xf32> to vector<1024x1024xf32>
    %add3A_67 = vector.broadcast %broadcast_in_dim3A : vector<1024x1xf32> to vector<1024x1024xf32>
    %add3A_68 = arith.addf %add3A_66, %add3A_67 : vector<1024x1024xf32>
    %sub3A_69 = arith.subf %add3A_68, %dot_general3A_65 : vector<1024x1024xf32>
    %reduce_min3A_70 = arith.constant dense<0x7F800000> : vector<1024xf32>
    %reduce_min3A_71 = vector.multi_reduction <minimumf>, %sub3A_69, %reduce_min3A_70 [0] : vector<1024x1024xf32> to vector<1024xf32>
    %broadcast_in_dim3A_72 = vector.shape_cast %reduce_min3A_71 : vector<1024xf32> to vector<1x1024xf32>
    %argmin3A_73 = tpu.reduce_index %sub3A_69 {axis = 0 : i32, kind = #tpu.reduction_kind<arg_min>} : vector<1024x1024xf32> -> vector<1024xi32>
    %broadcast_in_dim3A_74 = vector.shape_cast %argmin3A_73 : vector<1024xi32> to vector<1x1024xi32>
    %swap3A_75 = arith.constant 1 : index
    %swap3A_76 = arith.constant 0 : index
    %swap3A_77 = arith.constant 0 : index
    %swap3A_78 = vector.load %arg6[%swap3A_75, %swap3A_76, %swap3A_77] : memref<4x1x1024xi32, #tpu.memory_space<vmem>>, vector<1x1x1024xi32>
    %swap3A_79 = vector.shape_cast %swap3A_78 : vector<1x1x1024xi32> to vector<1x1024xi32>
    %swap3A_80 = vector.shape_cast %broadcast_in_dim3A_74 : vector<1x1024xi32> to vector<1x1x1024xi32>
    tpu.vector_store %arg6[%swap3A_75, %swap3A_76, %swap3A_77], %swap3A_80 {strides = array<i32>} : memref<4x1x1024xi32, #tpu.memory_space<vmem>>, vector<1x1x1024xi32>,
    %reduce_sum3A_81 = vector.shape_cast %broadcast_in_dim3A_72 : vector<1x1024xf32> to vector<1x1x1024xf32>
    %reduce_sum3A_82 = arith.constant dense<0.000000e+00> : vector<1xf32>
    %reduce_sum3A_83 = vector.multi_reduction <add>, %reduce_sum3A_81, %reduce_sum3A_82 [1, 2] : vector<1x1x1024xf32> to vector<1xf32>
    %reduce_sum3A_84 = vector.shape_cast %reduce_sum3A_83 : vector<1xf32> to vector<1x1x1xf32>
    %reduce_sum3A_85 = vector.extract %reduce_sum3A_84[0, 0, 0] : f32 from vector<1x1x1xf32>
    %add3A_86 = arith.addf %add3A_44, %reduce_sum3A_85 : f32
    %eq3A_87 = vector.broadcast %broadcast_in_dim3A_74 : vector<1x1024xi32> to vector<1024x1024xi32>
    %eq3A_88 = arith.cmpi eq, %iota3A, %eq3A_87 : vector<1024x1024xi32>
    %convert_element_type3A_89 = arith.extui %eq3A_88 : vector<1024x1024xi1> to vector<1024x1024xi32>
    %convert_element_type3A_90 = arith.sitofp %convert_element_type3A_89 : vector<1024x1024xi32> to vector<1024x1024xf32>
    %reduce_sum3A_91 = arith.constant dense<0.000000e+00> : vector<1024xf32>
    %reduce_sum3A_92 = vector.multi_reduction <add>, %convert_element_type3A_90, %reduce_sum3A_91 [1] : vector<1024x1024xf32> to vector<1024xf32>
    %broadcast_in_dim3A_93 = vector.shape_cast %reduce_sum3A_92 : vector<1024xf32> to vector<1024x1xf32>
    %add3A_94 = arith.addf %add3A_50, %broadcast_in_dim3A_93 : vector<1024x1xf32>
    %get3A_95 = arith.constant 2 : index
    %get3A_96 = arith.constant 0 : index
    %get3A_97 = arith.constant 0 : index
    %get3A_98 = vector.load %arg1[%get3A_95, %get3A_96, %get3A_97] : memref<4x64x1024xf32, #tpu.memory_space<vmem>>, vector<1x64x1024xf32>
    %get3A_99 = vector.shape_cast %get3A_98 : vector<1x64x1024xf32> to vector<64x1024xf32>
    %dot_general3A_100 = arith.constant dense<0.000000e+00> : vector<64x1024xf32>
    %dot_general3A_101 = tpu.matmul %get3A_1, %get3A_99, %dot_general3A_100 {dimension_numbers = #tpu.dot_dimension_numbers<[1], [0], [0], [1], [0, 0, 1, 1], [], []>, transpose_lhs_hint = false} : vector<64x64xf32>, vector<64x1024xf32>, vector<64x1024xf32> -> vector<64x1024xf32>
    %add3A_102 = vector.broadcast %get3A_10 : vector<64x1xf32> to vector<64x1024xf32>
    %add3A_103 = arith.addf %dot_general3A_101, %add3A_102 : vector<64x1024xf32>
    %mul3A_104 = arith.mulf %add3A_103, %add3A_103 : vector<64x1024xf32>
    %reduce_sum3A_105 = arith.constant dense<0.000000e+00> : vector<1024xf32>
    %reduce_sum3A_106 = vector.multi_reduction <add>, %mul3A_104, %reduce_sum3A_105 [0] : vector<64x1024xf32> to vector<1024xf32>
    %broadcast_in_dim3A_107 = vector.shape_cast %reduce_sum3A_106 : vector<1024xf32> to vector<1x1024xf32>
    %dot_general3A_108 = arith.constant dense<0.000000e+00> : vector<1024x1024xf32>
    %dot_general3A_109 = tpu.matmul %get3A_7, %add3A_103, %dot_general3A_108 {dimension_numbers = #tpu.dot_dimension_numbers<[1], [0], [0], [1], [0, 0, 1, 1], [], []>, transpose_lhs_hint = false} : vector<1024x64xf32>, vector<64x1024xf32>, vector<1024x1024xf32> -> vector<1024x1024xf32>
    %add3A_110 = vector.broadcast %broadcast_in_dim3A_107 : vector<1x1024xf32> to vector<1024x1024xf32>
    %add3A_111 = vector.broadcast %broadcast_in_dim3A : vector<1024x1xf32> to vector<1024x1024xf32>
    %add3A_112 = arith.addf %add3A_110, %add3A_111 : vector<1024x1024xf32>
    %sub3A_113 = arith.subf %add3A_112, %dot_general3A_109 : vector<1024x1024xf32>
    %reduce_min3A_114 = arith.constant dense<0x7F800000> : vector<1024xf32>
    %reduce_min3A_115 = vector.multi_reduction <minimumf>, %sub3A_113, %reduce_min3A_114 [0] : vector<1024x1024xf32> to vector<1024xf32>
    %broadcast_in_dim3A_116 = vector.shape_cast %reduce_min3A_115 : vector<1024xf32> to vector<1x1024xf32>
    %argmin3A_117 = tpu.reduce_index %sub3A_113 {axis = 0 : i32, kind = #tpu.reduction_kind<arg_min>} : vector<1024x1024xf32> -> vector<1024xi32>
    %broadcast_in_dim3A_118 = vector.shape_cast %argmin3A_117 : vector<1024xi32> to vector<1x1024xi32>
    %swap3A_119 = arith.constant 2 : index
    %swap3A_120 = arith.constant 0 : index
    %swap3A_121 = arith.constant 0 : index
    %swap3A_122 = vector.load %arg6[%swap3A_119, %swap3A_120, %swap3A_121] : memref<4x1x1024xi32, #tpu.memory_space<vmem>>, vector<1x1x1024xi32>
    %swap3A_123 = vector.shape_cast %swap3A_122 : vector<1x1x1024xi32> to vector<1x1024xi32>
    %swap3A_124 = vector.shape_cast %broadcast_in_dim3A_118 : vector<1x1024xi32> to vector<1x1x1024xi32>
    tpu.vector_store %arg6[%swap3A_119, %swap3A_120, %swap3A_121], %swap3A_124 {strides = array<i32>} : memref<4x1x1024xi32, #tpu.memory_space<vmem>>, vector<1x1x1024xi32>,
    %reduce_sum3A_125 = vector.shape_cast %broadcast_in_dim3A_116 : vector<1x1024xf32> to vector<1x1x1024xf32>
    %reduce_sum3A_126 = arith.constant dense<0.000000e+00> : vector<1xf32>
    %reduce_sum3A_127 = vector.multi_reduction <add>, %reduce_sum3A_125, %reduce_sum3A_126 [1, 2] : vector<1x1x1024xf32> to vector<1xf32>
    %reduce_sum3A_128 = vector.shape_cast %reduce_sum3A_127 : vector<1xf32> to vector<1x1x1xf32>
    %reduce_sum3A_129 = vector.extract %reduce_sum3A_128[0, 0, 0] : f32 from vector<1x1x1xf32>
    %add3A_130 = arith.addf %add3A_86, %reduce_sum3A_129 : f32
    %eq3A_131 = vector.broadcast %broadcast_in_dim3A_118 : vector<1x1024xi32> to vector<1024x1024xi32>
    %eq3A_132 = arith.cmpi eq, %iota3A, %eq3A_131 : vector<1024x1024xi32>
    %convert_element_type3A_133 = arith.extui %eq3A_132 : vector<1024x1024xi1> to vector<1024x1024xi32>
    %convert_element_type3A_134 = arith.sitofp %convert_element_type3A_133 : vector<1024x1024xi32> to vector<1024x1024xf32>
    %reduce_sum3A_135 = arith.constant dense<0.000000e+00> : vector<1024xf32>
    %reduce_sum3A_136 = vector.multi_reduction <add>, %convert_element_type3A_134, %reduce_sum3A_135 [1] : vector<1024x1024xf32> to vector<1024xf32>
    %broadcast_in_dim3A_137 = vector.shape_cast %reduce_sum3A_136 : vector<1024xf32> to vector<1024x1xf32>
    %add3A_138 = arith.addf %add3A_94, %broadcast_in_dim3A_137 : vector<1024x1xf32>
    %get3A_139 = arith.constant 3 : index
    %get3A_140 = arith.constant 0 : index
    %get3A_141 = arith.constant 0 : index
    %get3A_142 = vector.load %arg1[%get3A_139, %get3A_140, %get3A_141] : memref<4x64x1024xf32, #tpu.memory_space<vmem>>, vector<1x64x1024xf32>
    %get3A_143 = vector.shape_cast %get3A_142 : vector<1x64x1024xf32> to vector<64x1024xf32>
    %dot_general3A_144 = arith.constant dense<0.000000e+00> : vector<64x1024xf32>
    %dot_general3A_145 = tpu.matmul %get3A_1, %get3A_143, %dot_general3A_144 {dimension_numbers = #tpu.dot_dimension_numbers<[1], [0], [0], [1], [0, 0, 1, 1], [], []>, transpose_lhs_hint = false} : vector<64x64xf32>, vector<64x1024xf32>, vector<64x1024xf32> -> vector<64x1024xf32>
    %add3A_146 = vector.broadcast %get3A_10 : vector<64x1xf32> to vector<64x1024xf32>
    %add3A_147 = arith.addf %dot_general3A_145, %add3A_146 : vector<64x1024xf32>
    %mul3A_148 = arith.mulf %add3A_147, %add3A_147 : vector<64x1024xf32>
    %reduce_sum3A_149 = arith.constant dense<0.000000e+00> : vector<1024xf32>
    %reduce_sum3A_150 = vector.multi_reduction <add>, %mul3A_148, %reduce_sum3A_149 [0] : vector<64x1024xf32> to vector<1024xf32>
    %broadcast_in_dim3A_151 = vector.shape_cast %reduce_sum3A_150 : vector<1024xf32> to vector<1x1024xf32>
    %dot_general3A_152 = arith.constant dense<0.000000e+00> : vector<1024x1024xf32>
    %dot_general3A_153 = tpu.matmul %get3A_7, %add3A_147, %dot_general3A_152 {dimension_numbers = #tpu.dot_dimension_numbers<[1], [0], [0], [1], [0, 0, 1, 1], [], []>, transpose_lhs_hint = false} : vector<1024x64xf32>, vector<64x1024xf32>, vector<1024x1024xf32> -> vector<1024x1024xf32>
    %add3A_154 = vector.broadcast %broadcast_in_dim3A_151 : vector<1x1024xf32> to vector<1024x1024xf32>
    %add3A_155 = vector.broadcast %broadcast_in_dim3A : vector<1024x1xf32> to vector<1024x1024xf32>
    %add3A_156 = arith.addf %add3A_154, %add3A_155 : vector<1024x1024xf32>
    %sub3A_157 = arith.subf %add3A_156, %dot_general3A_153 : vector<1024x1024xf32>
    %reduce_min3A_158 = arith.constant dense<0x7F800000> : vector<1024xf32>
    %reduce_min3A_159 = vector.multi_reduction <minimumf>, %sub3A_157, %reduce_min3A_158 [0] : vector<1024x1024xf32> to vector<1024xf32>
    %broadcast_in_dim3A_160 = vector.shape_cast %reduce_min3A_159 : vector<1024xf32> to vector<1x1024xf32>
    %argmin3A_161 = tpu.reduce_index %sub3A_157 {axis = 0 : i32, kind = #tpu.reduction_kind<arg_min>} : vector<1024x1024xf32> -> vector<1024xi32>
    %broadcast_in_dim3A_162 = vector.shape_cast %argmin3A_161 : vector<1024xi32> to vector<1x1024xi32>
    %swap3A_163 = arith.constant 3 : index
    %swap3A_164 = arith.constant 0 : index
    %swap3A_165 = arith.constant 0 : index
    %swap3A_166 = vector.load %arg6[%swap3A_163, %swap3A_164, %swap3A_165] : memref<4x1x1024xi32, #tpu.memory_space<vmem>>, vector<1x1x1024xi32>
    %swap3A_167 = vector.shape_cast %swap3A_166 : vector<1x1x1024xi32> to vector<1x1024xi32>
    %swap3A_168 = vector.shape_cast %broadcast_in_dim3A_162 : vector<1x1024xi32> to vector<1x1x1024xi32>
    tpu.vector_store %arg6[%swap3A_163, %swap3A_164, %swap3A_165], %swap3A_168 {strides = array<i32>} : memref<4x1x1024xi32, #tpu.memory_space<vmem>>, vector<1x1x1024xi32>,
    %reduce_sum3A_169 = vector.shape_cast %broadcast_in_dim3A_160 : vector<1x1024xf32> to vector<1x1x1024xf32>
    %reduce_sum3A_170 = arith.constant dense<0.000000e+00> : vector<1xf32>
    %reduce_sum3A_171 = vector.multi_reduction <add>, %reduce_sum3A_169, %reduce_sum3A_170 [1, 2] : vector<1x1x1024xf32> to vector<1xf32>
    %reduce_sum3A_172 = vector.shape_cast %reduce_sum3A_171 : vector<1xf32> to vector<1x1x1xf32>
    %reduce_sum3A_173 = vector.extract %reduce_sum3A_172[0, 0, 0] : f32 from vector<1x1x1xf32>
    %add3A_174 = arith.addf %add3A_130, %reduce_sum3A_173 : f32
    %eq3A_175 = vector.broadcast %broadcast_in_dim3A_162 : vector<1x1024xi32> to vector<1024x1024xi32>
    %eq3A_176 = arith.cmpi eq, %iota3A, %eq3A_175 : vector<1024x1024xi32>
    %convert_element_type3A_177 = arith.extui %eq3A_176 : vector<1024x1024xi1> to vector<1024x1024xi32>
    %convert_element_type3A_178 = arith.sitofp %convert_element_type3A_177 : vector<1024x1024xi32> to vector<1024x1024xf32>
    %reduce_sum3A_179 = arith.constant dense<0.000000e+00> : vector<1024xf32>
    %reduce_sum3A_180 = vector.multi_reduction <add>, %convert_element_type3A_178, %reduce_sum3A_179 [1] : vector<1024x1024xf32> to vector<1024xf32>
    %broadcast_in_dim3A_181 = vector.shape_cast %reduce_sum3A_180 : vector<1024xf32> to vector<1024x1xf32>
    %add3A_182 = arith.addf %add3A_138, %broadcast_in_dim3A_181 : vector<1024x1xf32>
    %eq3A_183 = arith.constant 0 : i32
    %eq3A_184 = arith.cmpi eq, %arg0, %eq3A_183 : i32
    %convert_element_type3A_185 = arith.extui %eq3A_184 : i1 to i32
    %cond3A = arith.constant 0 : i32
    %cond3A_186 = arith.cmpi ne, %convert_element_type3A_185, %cond3A : i32
    scf.if %cond3A_186 {
      %swap3A_196 = arith.constant 0 : index
      %swap3A_197 = memref.load %arg9[%swap3A_196] : memref<1xf32, #tpu.memory_space<smem>>
      memref.store %add3A_174, %arg9[%swap3A_196] : memref<1xf32, #tpu.memory_space<smem>>
      %swap3A_198 = arith.constant 0 : index
      %swap3A_199 = arith.constant 0 : index
      %swap3A_200 = vector.load %arg10[%swap3A_198, %swap3A_199] : memref<1024x1xf32, #tpu.memory_space<vmem>>, vector<1024x1xf32>
      tpu.vector_store %arg10[%swap3A_198, %swap3A_199], %add3A_182 {strides = array<i32>} : memref<1024x1xf32, #tpu.memory_space<vmem>>, vector<1024x1xf32>,
    } else {
    }
    %gt3A = arith.constant 0 : i32
    %gt3A_187 = arith.cmpi sgt, %arg0, %gt3A : i32
    %convert_element_type3A_188 = arith.extui %gt3A_187 : i1 to i32
    %cond3A_189 = arith.constant 0 : i32
    %cond3A_190 = arith.cmpi ne, %convert_element_type3A_188, %cond3A_189 : i32
    scf.if %cond3A_190 {
      %get3A_196 = arith.constant 0 : index
      %get3A_197 = memref.load %arg9[%get3A_196] : memref<1xf32, #tpu.memory_space<smem>>
      %add3A_198 = arith.addf %get3A_197, %add3A_174 : f32
      %swap3A_199 = arith.constant 0 : index
      %swap3A_200 = memref.load %arg9[%swap3A_199] : memref<1xf32, #tpu.memory_space<smem>>
      memref.store %add3A_198, %arg9[%swap3A_199] : memref<1xf32, #tpu.memory_space<smem>>
      %get3A_201 = arith.constant 0 : index
      %get3A_202 = arith.constant 0 : index
      %get3A_203 = vector.load %arg10[%get3A_201, %get3A_202] : memref<1024x1xf32, #tpu.memory_space<vmem>>, vector<1024x1xf32>
      %add3A_204 = arith.addf %get3A_203, %add3A_182 : vector<1024x1xf32>
      %swap3A_205 = arith.constant 0 : index
      %swap3A_206 = arith.constant 0 : index
      %swap3A_207 = vector.load %arg10[%swap3A_205, %swap3A_206] : memref<1024x1xf32, #tpu.memory_space<vmem>>, vector<1024x1xf32>
      tpu.vector_store %arg10[%swap3A_205, %swap3A_206], %add3A_204 {strides = array<i32>} : memref<1024x1xf32, #tpu.memory_space<vmem>>, vector<1024x1xf32>,
    } else {
    }
    %eq3A_191 = arith.constant 3 : i32
    %eq3A_192 = arith.cmpi eq, %arg0, %eq3A_191 : i32
    %convert_element_type3A_193 = arith.extui %eq3A_192 : i1 to i32
    %cond3A_194 = arith.constant 0 : i32
    %cond3A_195 = arith.cmpi ne, %convert_element_type3A_193, %cond3A_194 : i32
    scf.if %cond3A_195 {
      %get3A_196 = arith.constant 0 : index
      %get3A_197 = memref.load %arg9[%get3A_196] : memref<1xf32, #tpu.memory_space<smem>>
      %mul3A_198 = arith.constant 1.250000e+00 : f32
      %mul3A_199 = arith.mulf %mul3A_198, %get3A_197 : f32
      %div3A = arith.constant 0x49800000 : f32
      %div3A_200 = arith.divf %mul3A_199, %div3A : f32
      %broadcast_in_dim3A_201 = vector.broadcast %div3A_200 : f32 to vector<1x1xf32>
      %swap3A_202 = arith.constant 0 : index
      %swap3A_203 = arith.constant 0 : index
      %swap3A_204 = vector.load %arg7[%swap3A_202, %swap3A_203] : memref<1x1xf32, #tpu.memory_space<vmem>>, vector<1x1xf32>
      tpu.vector_store %arg7[%swap3A_202, %swap3A_203], %broadcast_in_dim3A_201 {strides = array<i32>} : memref<1x1xf32, #tpu.memory_space<vmem>>, vector<1x1xf32>,
      %get3A_205 = arith.constant 0 : index
      %get3A_206 = arith.constant 0 : index
      %get3A_207 = vector.load %arg10[%get3A_205, %get3A_206] : memref<1024x1xf32, #tpu.memory_space<vmem>>, vector<1024x1xf32>
      %mul3A_208 = arith.constant 6.10351563E-5 : f32
      %mul3A_209 = vector.broadcast %mul3A_208 : f32 to vector<1024x1xf32>
      %mul3A_210 = arith.mulf %get3A_207, %mul3A_209 : vector<1024x1xf32>
      %add3A_211 = arith.constant 1.000000e-10 : f32
      %add3A_212 = vector.broadcast %add3A_211 : f32 to vector<1024x1xf32>
      %add3A_213 = arith.addf %mul3A_210, %add3A_212 : vector<1024x1xf32>
      %log3A = math.log %add3A_213 : vector<1024x1xf32>
      %mul3A_214 = arith.mulf %mul3A_210, %log3A : vector<1024x1xf32>
      %reduce_sum3A_215 = vector.shape_cast %mul3A_214 : vector<1024x1xf32> to vector<1x1024x1xf32>
      %reduce_sum3A_216 = arith.constant dense<0.000000e+00> : vector<1xf32>
      %reduce_sum3A_217 = vector.multi_reduction <add>, %reduce_sum3A_215, %reduce_sum3A_216 [1, 2] : vector<1x1024x1xf32> to vector<1xf32>
      %reduce_sum3A_218 = vector.shape_cast %reduce_sum3A_217 : vector<1xf32> to vector<1x1x1xf32>
      %reduce_sum3A_219 = vector.extract %reduce_sum3A_218[0, 0, 0] : f32 from vector<1x1x1xf32>
      %neg3A = arith.constant 0.000000e+00 : f32
      %neg3A_220 = arith.subf %neg3A, %reduce_sum3A_219 : f32
      %exp3A = math.exp %neg3A_220 : f32
      %broadcast_in_dim3A_221 = vector.broadcast %exp3A : f32 to vector<1x1xf32>
      %swap3A_222 = arith.constant 0 : index
      %swap3A_223 = arith.constant 0 : index
      %swap3A_224 = vector.load %arg8[%swap3A_222, %swap3A_223] : memref<1x1xf32, #tpu.memory_space<vmem>>, vector<1x1xf32>
      tpu.vector_store %arg8[%swap3A_222, %swap3A_223], %broadcast_in_dim3A_221 {strides = array<i32>} : memref<1x1xf32, #tpu.memory_space<vmem>>, vector<1x1xf32>,
    } else {
    }
    return
  }
  func.func @transform_0(%arg0: i32) -> (i32, i32, i32) {
    %c0_i32 = arith.constant 0 : i32
    %c0_i32_0 = arith.constant 0 : i32
    %c0_i32_1 = arith.constant 0 : i32
    return %arg0, %c0_i32, %c0_i32_0 : i32, i32, i32
  }
  func.func @transform_1(%arg0: i32) -> (i32, i32) {
    %c0_i32 = arith.constant 0 : i32
    %c0_i32_0 = arith.constant 0 : i32
    %c0_i32_1 = arith.constant 0 : i32
    return %c0_i32, %c0_i32_0 : i32, i32
  }
  func.func @transform_2(%arg0: i32) -> (i32, i32) {
    %c0_i32 = arith.constant 0 : i32
    %c0_i32_0 = arith.constant 0 : i32
    %c0_i32_1 = arith.constant 0 : i32
    return %c0_i32, %c0_i32_0 : i32, i32
  }
  func.func @transform_3(%arg0: i32) -> (i32, i32) {
    %c0_i32 = arith.constant 0 : i32
    %c0_i32_0 = arith.constant 0 : i32
    %c0_i32_1 = arith.constant 0 : i32
    return %c0_i32, %c0_i32_0 : i32, i32
  }
  func.func @transform_4(%arg0: i32) -> (i32, i32) {
    %c0_i32 = arith.constant 0 : i32
    %c0_i32_0 = arith.constant 0 : i32
    %c0_i32_1 = arith.constant 0 : i32
    return %c0_i32, %c0_i32_0 : i32, i32
  }
  func.func @transform_5(%arg0: i32) -> (i32, i32, i32) {
    %c0_i32 = arith.constant 0 : i32
    %c0_i32_0 = arith.constant 0 : i32
    %c0_i32_1 = arith.constant 0 : i32
    return %arg0, %c0_i32, %c0_i32_0 : i32, i32, i32
  }
  func.func @transform_6(%arg0: i32) -> (i32, i32) {
    %c0_i32 = arith.constant 0 : i32
    %c0_i32_0 = arith.constant 0 : i32
    %c0_i32_1 = arith.constant 0 : i32
    return %c0_i32, %c0_i32_0 : i32, i32
  }
  func.func @transform_7(%arg0: i32) -> (i32, i32) {
    %c0_i32 = arith.constant 0 : i32
    %c0_i32_0 = arith.constant 0 : i32
    %c0_i32_1 = arith.constant 0 : i32
    return %c0_i32, %c0_i32_0 : i32, i32
  }
}

</mosaic_0001>

<sc_bundles>
// kernel: kernel.4.cloned.1.call-start
scs
__scs_entry_jumppad:
0x0: {  	(pc) =	sbr.rel $0x88, $3  }
0x1: {  	(tag) =	ssettag $0x0;
	lr =	simm.s32 $0x1  }
0x2: {  	[smem:$0x3F9D] =	sst lr;
	_ =	strace $0xD0000000  }
0x3: {  	_ = 	snop  }
0x4: {  	_ = 	snop  }
0x5: {  	_ = 	snop  }
0x6: {  	_ = 	snop  }
0x7: {  	_ = 	snop  }
__scs_overlays_trampoline_lowered:
0x8: {  	[smem:$0x3FAC] =	sst s0  }
0x9: {  	[smem:$0x3FAD] =	sst s1  }
0xa: {  	[smem:$0x3FAE] =	sst s2  }
0xb: {  	[smem:$0x3FAF] =	sst s3  }
0xc: {  	[smem:$0x3FB0] =	sst s4  }
0xd: {  	[smem:$0x3FB1] =	sst s5  }
0xe: {  	[smem:$0x3FB2] =	sst s6  }
0xf: {  	[smem:$0x3FB3] =	sst s7  }
0x10: {  	[smem:$0x3FB4] =	sst s8  }
0x11: {  	[smem:$0x3FB5] =	sst s9;
	s0 =	simm.s32 @!p0 $0x0  }
0x12: {  	s1 =	sld [smem:$0x3F9B];
	s0 =	simm.s32 @p0 $0x1  }
0x13: {  	[smem:$0x3FB6] =	sst s0;
	s0 =	simm.s32 @!p1 $0x0  }
0x14: {  	s2 =	sld [smem:$0x3F9A];
	s0 =	simm.s32 @p1 $0x1  }
0x15: {  	[smem:$0x3FB7] =	sst s0;
	s0 =	simm.s32 @!p2 $0x0  }
0x16: {  	s3 =	sld [smem:$0x3FDB];
	s0 =	simm.s32 @p2 $0x1  }
0x17: {  	s4 =	simm.s32 $0x1BF5;
	[smem:$0x3FB9] =	sst s0  }
0x18: {  	s0 =	sld [smem:$0x3F9C];
	_ =	swait.ge [sflag:s4], $0x0  }
0x19: {  	s7 =	sld [smem:$0x3F9D]  }
0x1a: {  	s8 =	sadd.s32 $0xFFFFE003, lr  }
0x1b: {  	s9 =	sadd.s32 $0xFFFFFEF7, lr;
	s5 =	simm.s32 $0xFFFFFFFF;
	p2 =	slt.u32 s8, $0xFFFFF086  }
0x1c: {  	p1 =	slt.u32 s9, $0xF7A;
	s5 =	simm.s32 @!p2 $0x0  }
0x1d: {  	s5 =	simm.s32 @p1 $0x1;
	p0 =	seq.s32 s7, s2  }
0x1e: {  	s7 =	smul.u32 @!p0 $0xF7A, s2;
	p2 =	seq.s32 @!p0 s5, $0x0  }
0x1f: {  	s9 =	smul.u32 $0xF7A, s1;
	s8 =	simm.s32 @!p0 $0x1BF5;
	p2 =	por !p2, p0  }
0x20: {  	[sflag:s8] =	ssyncset.s32 @!p0 $0xFFFFF086;
	s6 =	sadd.s32 @!p0 s3, s7;
	s7 =	simm.s32 @!p0 $0x108  }
0x21: {  	s3 =	sadd.s32 s3, s9;
	s6 =	sadd.s32 @!p0 $0x88, s6;
	s7 =	simm.s32 @p2 $0x1082  }
0x22: {  	[simem:s7], [sflag:s8] =	dma.local @!p0 [hbm:s6], $0xF7A  }
0x23: {  	s9 =	sor.u32 $0xD0000000, s2;
	s6 =	simm.s32 $0x108;
	_ =	swait.ge @!p0 [sflag:s8], $0x0  }
0x24: {  	s3 =	sadd.s32 $0x88, s3;
	s6 =	simm.s32 @!p1 $0x1082;
	[sflag:s4] =	ssyncset.s32 $0xFFFFF086  }
0x25: {  	[simem:s6], [sflag:s4] =	dma.local [hbm:s3], $0xF7A  }
0x26: {  	[smem:$0x3F9D] =	sst s1;
	(tag) =	ssettag s2;
	_ =	strace s9  }
0x27: {  	s1 =	sld [smem:$0x3FAD]  }
0x28: {  	s2 =	sld [smem:$0x3FAE]  }
0x29: {  	s4 =	sld [smem:$0x3FB0]  }
0x2a: {  	p0 =	seq.s32 s5, $0x0;
	s5 =	sld [smem:$0x3FB1]  }
0x2b: {  	s6 =	sld [smem:$0x3FB2]  }
0x2c: {  	s7 =	sld [smem:$0x3FB3]  }
0x2d: {  	s3 =	simm.s32 $0x108;
	s8 =	sld [smem:$0x3FB4]  }
0x2e: {  	s3 =	simm.s32 @!p0 $0x1082;
	s9 =	sld [smem:$0x3FB5]  }
0x2f: {  	lr =	sadd.s32 s0, s3;
	s0 =	sld [smem:$0x3FAC]  }
0x30: {  	s3 =	sld [smem:$0x3FAF]  }
0x31: {  	[smem:$0x3FB8] =	sst s10  }
0x32: {  	s10 =	sld [smem:$0x3FB6];
	_ =	sdelay $0x3  }
0x33: {  	p0 =	seq.s32 s10, $0x1;
	s10 =	sld [smem:$0x3FB8];
	_ =	sdelay $0x3  }
0x34: {  	[smem:$0x3FB8] =	sst s10  }
0x35: {  	s10 =	sld [smem:$0x3FB7];
	_ =	sdelay $0x3  }
0x36: {  	p1 =	seq.s32 s10, $0x1;
	s10 =	sld [smem:$0x3FB8];
	_ =	sdelay $0x3  }
0x37: {  	[smem:$0x3FB8] =	sst s10  }
0x38: {  	s10 =	sld [smem:$0x3FB9]  }
0x39: {  	_ = 	snop;
	(pc) =	sbr.ind lr, $3  }
0x3a: {  	_ = 	snop  }
0x3b: {  	_ = 	snop  }
0x3c: {  	p2 =	seq.s32 s10, $0x1;
	s10 =	sld [smem:$0x3FB8]  }
0x3d: {  	_ =	shalt  }
0x3e: {  	_ =	shalt  }
0x3f: {  	_ =	shalt  }
0x40: {  	_ =	shalt  }
0x41: {  	_ =	shalt  }
0x42: {  	_ =	shalt  }
0x43: {  	_ =	shalt  }
0x44: {  	_ =	shalt  }
0x45: {  	_ =	shalt  }
0x46: {  	_ =	shalt  }
0x47: {  	_ =	shalt  }
0x48: {  	_ =	shalt  }
0x49: {  	_ =	shalt  }
0x4a: {  	_ =	shalt  }
0x4b: {  	_ =	shalt  }
0x4c: {  	_ =	shalt  }
0x4d: {  	_ =	shalt  }
0x4e: {  	_ =	shalt  }
0x4f: {  	_ =	shalt  }
0x50: {  	_ =	shalt  }
0x51: {  	_ =	shalt  }
0x52: {  	_ =	shalt  }
0x53: {  	_ =	shalt  }
0x54: {  	_ =	shalt  }
0x55: {  	_ =	shalt  }
0x56: {  	_ =	shalt  }
0x57: {  	_ =	shalt  }
0x58: {  	_ =	shalt  }
0x59: {  	_ =	shalt  }
0x5a: {  	_ =	shalt  }
0x5b: {  	_ =	shalt  }
0x5c: {  	_ =	shalt  }
0x5d: {  	_ =	shalt  }
0x5e: {  	_ =	shalt  }
0x5f: {  	_ =	shalt  }
0x60: {  	_ =	shalt  }
0x61: {  	_ =	shalt  }
0x62: {  	_ =	shalt  }
0x63: {  	_ =	shalt  }
0x64: {  	_ =	shalt  }
0x65: {  	_ =	shalt  }
0x66: {  	_ =	shalt  }
0x67: {  	_ =	shalt  }
0x68: {  	_ =	shalt  }
0x69: {  	_ =	shalt  }
0x6a: {  	_ =	shalt  }
0x6b: {  	_ =	shalt  }
0x6c: {  	_ =	shalt  }
0x6d: {  	_ =	shalt  }
0x6e: {  	_ =	shalt  }
0x6f: {  	_ =	shalt  }
0x70: {  	_ =	shalt  }
0x71: {  	_ =	shalt  }
0x72: {  	_ =	shalt  }
0x73: {  	_ =	shalt  }
0x74: {  	_ =	shalt  }
0x75: {  	_ =	shalt  }
0x76: {  	_ =	shalt  }
0x77: {  	_ =	shalt  }
0x78: {  	_ =	shalt  }
0x79: {  	_ =	shalt  }
0x7a: {  	_ =	shalt  }
0x7b: {  	_ =	shalt  }
0x7c: {  	_ =	shalt  }
0x7d: {  	_ =	shalt  }
0x7e: {  	_ =	shalt  }
0x7f: {  	_ =	shalt  }
0x80: {  	_ =	shalt  }
0x81: {  	_ =	shalt  }
0x82: {  	_ =	shalt  }
0x83: {  	_ =	shalt  }
0x84: {  	_ =	shalt  }
0x85: {  	_ =	shalt  }
0x86: {  	_ =	shalt  }
0x87: {  	_ =	shalt  }
.Lfunc_end0:
.L_simem_size_0:
called_computation_lowered:
.L_overlay_start_0:
0x88: {  	s2 =	sld [smem:$0x3FD9]  }
0x89: {  	s3 =	sld [smem:$0x3FFE];
	_ =	sdelay $0x1  }
0x8a: {  	s1 =	srdreg.scid  }
0x8b: {  	s0 =	sand.u32 $0x1, s1  }
0x8c: {  	s14 =	sshll.u32 s0, $0xA;
	s2 =	sadd.s32 s3, s2  }
0x8d: {  	s2 =	sadd.s32 s2, s14  }
0x8e: {  	[smem:$0x3FC4] =	sst s2  }
0x8f: {  	_ = 	snop  }
0x90: {  	s2 =	sld [smem:$0x3FD0];
	_ =	sdelay $0x2  }
0x91: {  	s15 =	simm.s32 $0xA;
	s4 =	simm.s32 $0x10  }
0x92: {  	[smem:s4], [sflag:s15] =	dma.local [hbm:s2], $0x1  }
0x93: {  	_ =	swait.eq [sflag:s15], $0x1  }
0x94: {  	[sflag:s15] =	ssyncset.done $0x0  }
0x95: {  	s16 =	sld [smem:$0x11];
	[sflag:s15] =	ssyncadd.s32 $0xFFFFFFFF  }
0x96: {  	s17 =	sld [smem:$0x13];
	(tm) =	ssettm $0x1  }
0x97: {  	s18 =	sld [smem:$0x3FFB];
	_ =	sdelay $0x3  }
0x98: {  	_ =	strace s18  }
0x99: {  	s4 =	sld [smem:$0x3FFC];
	_ =	sdelay $0x3  }
0x9a: {  	_ =	strace s4  }
0x9b: {  	s4 =	sld [smem:$0x3FFD];
	_ =	sdelay $0x3  }
0x9c: {  	_ =	strace s4  }
0x9d: {  	_ =	strace $0x8FFFFFFF  }
0x9e: {  	s19 =	sld [smem:$0x3FDB];
	_ =	sdelay $0x1  }
0x9f: {  	s5 =	simm.s32 $_scs_section_size  }
0xa0: {  	s6 =	simm.s32 $_size__tile_overlayer_lowered;
	s7 =	simm.s32 $_tile_overlayer_lowered  }
0xa1: {  	s22 =	simm.s32 $0x1BFF;
	s21 =	sshll.u32 s7, $0x1;
	s4 =	sadd.s32 s5, s19  }
0xa2: {  	s8 =	simm.s32 $0x0;
	s20 =	sshll.u32 s6, $0x1;
	s6 =	sadd.s32 s21, s4  }
0xa3: {  	[timem:s8], [sflag:s22] =	dma.local [hbm:s6], s20  }
0xa4: {  	_ =	swait.ge [sflag:s22], s20  }
0xa5: {  	s5 =	ssub.s32 $0x0, s20;
	[sflag:s22] =	ssyncset.done $0x0  }
0xa6: {  	[sflag:s22] =	ssyncadd.s32 s5;
	_ =	sdelay $0x1  }
0xa7: {  	s23 =	simm.s32 $0x1B8B  }
0xa8: {  	_ =	swait.ge [sflag:s23], $0x1  }
0xa9: {  	[sflag:s23] =	ssyncset.done $0x0  }
0xaa: {  	s25 =	simm.s32 $0x1B8E;
	s24 =	sld [smem:$0x3FFE];
	[sflag:s23] =	ssyncadd.s32 $0xFFFFFFFF  }
0xab: {  	s26 =	simm.s32 $execute0_lowered;
	[smem:$0x3FD2] =	sst s25  }
0xac: {  	s6 =	sshll.u32 s26, $0x1;
	_ =	strace $0x80000046;
	[dreg:$0x1] =	wrdreg $0xFFFFFFFF  }
0xad: {  	s28 =	simm.s32 $_size_execute0_lowered;
	s4 =	sadd.s32 s4, s6;
	[dreg:$0x0] =	wrdreg $0x0  }
0xae: {  	s6 =	sshll.u32 s28, $0x1;
	[dreg:$0x2] =	wrdreg s4  }
0xaf: {  	[dreg:$0x3] =	wrdreg s6  }
0xb0: {  	[dreg:$0x4] =	wrdreg $0xC0  }
0xb1: {  	_ =	task [dreg:s8], $0x5FFFF  }
0xb2: {  	[dreg:$0x1] =	wrdreg $0xFFFFFFFF  }
0xb3: {  	[dreg:$0x0] =	wrdreg $0x60  }
0xb4: {  	[dreg:$0x2] =	wrdreg s16  }
0xb5: {  	[dreg:$0x3] =	wrdreg s17  }
0xb6: {  	[dreg:$0x4] =	wrdreg s24  }
0xb7: {  	[dreg:$0x5] =	wrdreg $0x9  }
0xb8: {  	_ =	task.clear_ibuf [dreg:s8], $0x6FFFF;
	_ =	strace $0x90000046  }
0xb9: {  	s29 =	simm.s32 $0x9;
	_ =	strace $0x80000048  }
0xba: {  	_ =	swait.ge [sflag:s29], $0x1  }
0xbb: {  	[sflag:s29] =	ssyncadd.s32 $0xFFFFFFFF  }
0xbc: {  	_ =	strace $0x90000048  }
0xbd: {  	_ =	sfence  }
0xbe: {  	s30 =	sld [smem:$0x0];
	_ =	sdelay $0x2  }
0xbf: {  	s31 =	sshll.u32 s1, $0xD;
	s1 =	sshrl.u32 s1, $0x2  }
0xc0: {  	s3 =	sand.u32 $0x4000, s31;
	s1 =	sadd.s32 s1, s30  }
0xc1: {  	s0 =	sor.u32 s3, s0;
	s1 =	sshll.u32 s1, $0x11  }
0xc2: {  	s0 =	sor.u32 s1, s0  }
0xc3: {  	s0 =	sadd.s32 $0x8F2B, s0  }
0xc4: {  	[sflag:s0] =	ssyncadd.remote.s32 $0x1  }
0xc5: {  	_ =	sfence.sel $0xFFFF  }
0xc6: {  	[dreg:$0x0] =	wrdreg $0xFFFFFFFF;
	(pc) =	sbr.abs _section_cstart, $3  }
0xc7: {  	[dreg:$0x1] =	wrdreg $0xFFFFFFFF  }
0xc8: {  	_ =	task.clear_ibuf [dreg:s8], $0x2FFFF;
	_ =	strace $0x9FFFFFFF  }
0xc9: {  	(tm) =	ssettm $0x7FFFFFFF  }
tec
execute0_lowered:
.L_overlay_start_1:
0x0: {  	(tag) =	ssettag $0x1  }
0x1: {  	s0 =	rddreg [dreg:$0x0]  }
0x2: {  	s1 =	rddreg [dreg:$0x2];
	s3 =	simm.s32 $0x0  }
0x3: {  	s2 =	srdreg.scid;
	s6 =	stileid.u32;
	s7 =	simm.s32 $0x1  }
0x4: {  	s8 =	simm.s32 $0x100;
	s9 =	simm.s32 $0x400;
	s20 =	simm.s32 $0x7000  }
0x5: {  	s21 =	simm.s32 $0x7800;
	s22 =	simm.s32 $0x8000;
	s23 =	simm.s32 $0x8800  }
0x6: {  	s24 =	simm.s32 $0x9000;
	s28 =	simm.s32 $0xA800;
	s29 =	simm.s32 $0xB000  }
0x7: {  	s30 =	simm.s32 $0xB800;
	s31 =	simm.s32 $0xC000;
	[smem:$0x7FF] =	sst s3  }
0x8: {  	s2 =	sand.u32 $0x1, s2;
	s4 =	sshll.u32 s6, $0x5;
	s6 =	sshll.u32 s6, $0x8  }
0x9: {  	_ =	strace $0x80000047;
	s5 =	sshll.u32 s2, $0xC;
	s2 =	ssub.s32 $0x2, s2  }
0xa: {  	s4 =	sand.u32 $0x60, s4;
	s5 =	sor.u32 s6, s5;
	s25 =	sshrl.u32 s2, $0x1  }
0xb: {  	s1 =	sadd.s32 s4, s1;
	s6 =	sand.u32 $0x1C00, s5;
	s2 =	ssub.s32 s2, s25  }
0xc: {  	s4 =	sadd.s32 s0, s5;
	s25 =	simm.s32 $0x9800;
	s26 =	sadd.s32 s6, s1  }
0xd: {  	s0 =	simm.s32 $0x0;
	s6 =	smax.u32 s2, $0x1;
	s5 =	sadd.s32 $0x800, s26  }
0xe: {  	s26 =	simm.s32 $0xA000;
	s11 =	sadd.s32 $0x2000, s5;
	s13 =	sadd.s32 $0x4000, s5  }
0xf: {  	s15 =	sadd.s32 $0x6000, s5;
	s17 =	sadd.s32 $0x8000, s5;
	s19 =	sadd.s32 $0xA000, s5  }
.LBB2_1:
0x10: {  	[tilespmem:s3], [sflag:$0x1] =	stream.linear.gather [hbm4b:s4+s3], $0x800, $0x38;
	[tilespmem:$0xC800] =	vst v63  }
0x11: {  	_ =	swait.ge [sflag:s7], $0x800  }
0x12: {  	[sflag:s7] =	ssyncset.done $0x0  }
0x13: {  	[sflag:s7] =	ssyncadd.s32 $0xFFFFF800  }
0x14: {  	s1 =	simm.s32 $0x800;
	s2 =	rddreg [dreg:$0x1]  }
0x15: {  	[tilespmem:s1], [sflag:$0x1] =	stream.linear.gather [hbm4b:s2+s3], $0x4000, $0x38;
	[tilespmem:$0xC800] =	vst v63  }
0x16: {  	_ =	swait.ge [sflag:s7], $0x4000  }
0x17: {  	[sflag:s7] =	ssyncset.done $0x0  }
0x18: {  	[sflag:s7] =	ssyncadd.s32 $0xFFFFC000  }
0x19: {  	v1 =	vld [tilespmem:s1+$0x0];
	_ =	sdelay $0x3  }
0x1a: {  	s14 =	simm.s32 $0x810  }
0x1b: {  	v0 =	vld [tilespmem:s14+$0x0];
	_ =	sdelay $0x2  }
0x1c: {  	v2 =	vld.idx.msk [tilespmem:v1+s3+$0x0], $0xffff  }
0x1d: {  	v1 =	vadd.s32 $0x400, v1;
	_ =	sdelay $0x1  }
0x1e: {  	s16 =	sand.u32 $0x70, s3;
	s18 =	sand.u32 $0x7F00, s3;
	s10 =	simm.s32 $0x820  }
0x1f: {  	s2 =	sor.u32 s16, s18;
	v3 =	vld [tilespmem:s10+$0x0]  }
0x20: {  	s12 =	simm.s32 $0x20;
	[tilespmem:s2+$0x4800] =	vst v2;
	v2 =	vld.idx.msk [tilespmem:v0+s3+$0x0], $0xffff  }
0x21: {  	s16 =	simm.s32 $0x60;
	s1 =	simm.s32 $0x40;
	s14 =	simm.s32 $0x0;
	v1 =	vld.idx.msk [tilespmem:v1+s3+$0x0], $0xffff  }
.LBB2_2:
0x22: {  	p0 =	sne.s32 s16, $0x7FE0  }
0x23: {  	v4 =	vadd.s32 $0x400, v0  }
0x24: {  	s14 =	sadd.s32 $0x10, s14;
	v0 =	vmov v3  }
.Ltmp0:
0x25: {  	s12 =	sand.u32 $0x7F00, s12;
	s18 =	sand.u32 $0x70, s14;
	(pc) =	sbr.rel @p0 .LBB2_2-.Ltmp0, $4  }
0x26: {  	s10 =	sadd.s32 $0x10, s10;
	[tilespmem:s2+$0x4880] =	vst v1;
	s2 =	sor.u32 s18, s12;
	s12 =	smov.u32 s1  }
0x27: {  	s1 =	smov.u32 s16;
	v3 =	vld [tilespmem:s10+$0x0];
	[tilespmem:s2+$0x4800] =	vst v2  }
0x28: {  	v1 =	vld.idx.msk [tilespmem:v4+s3+$0x0], $0xffff  }
0x29: {  	s16 =	sadd.s32 $0x20, s16;
	v2 =	vld.idx.msk [tilespmem:v0+s3+$0x0], $0xffff  }
0x2a: {  	_ =	sdelay $0x5  }
0x2b: {  	v0 =	vadd.s32 $0x400, v0;
	v4 =	vld.idx.msk [tilespmem:v3+s3+$0x0], $0xffff  }
0x2c: {  	s10 =	sadd.s32 $0x10, s14;
	v62 =	vadd.s32 $0x400, v3  }
0x2d: {  	s12 =	sand.u32 $0x7F00, s12;
	s14 =	sand.u32 $0x70, s10;
	s10 =	sadd.s32 $0x10, s10  }
0x2e: {  	s1 =	sand.u32 $0x7F00, s1;
	s12 =	sor.u32 s14, s12;
	s10 =	sand.u32 $0x70, s10  }
0x2f: {  	s1 =	sor.u32 s10, s1;
	[tilespmem:s12+$0x4800] =	vst v2  }
0x30: {  	v0 =	vld.idx.msk [tilespmem:v0+s3+$0x0], $0xffff;
	[tilespmem:s1+$0x4800] =	vst v4  }
0x31: {  	v63 =	vld.idx.msk [tilespmem:v62+s3+$0x0], $0xffff;
	_ =	sdelay $0x2  }
0x32: {  	[tilespmem:s2+$0x4880] =	vst v1  }
0x33: {  	[tilespmem:s12+$0x4880] =	vst v0  }
0x34: {  	s14 =	simm.s32 $0x4800;
	[tilespmem:s1+$0x4880] =	vst v63  }
0x35: {  	[hbm4b:s5+s8] =	stream.strided.scatter [tilespmem:s14], [sflag:$0x1], $0x800, s9, s8, $0x38;
	[tilespmem:$0xC800] =	vst v63  }
0x36: {  	s16 =	simm.s32 $0x5000  }
0x37: {  	[hbm4b:s11+s8] =	stream.strided.scatter [tilespmem:s16], [sflag:$0x1], $0x800, s9, s8, $0x38;
	[tilespmem:$0xC800] =	vst v63  }
0x38: {  	s18 =	simm.s32 $0x5800  }
0x39: {  	[hbm4b:s13+s8] =	stream.strided.scatter [tilespmem:s18], [sflag:$0x1], $0x800, s9, s8, $0x38;
	[tilespmem:$0xC800] =	vst v63  }
0x3a: {  	s2 =	simm.s32 $0x6000  }
0x3b: {  	[hbm4b:s15+s8] =	stream.strided.scatter [tilespmem:s2], [sflag:$0x1], $0x800, s9, s8, $0x38;
	[tilespmem:$0xC800] =	vst v63  }
0x3c: {  	s10 =	simm.s32 $0x6800  }
0x3d: {  	[hbm4b:s17+s8] =	stream.strided.scatter [tilespmem:s10], [sflag:$0x1], $0x800, s9, s8, $0x38;
	[tilespmem:$0xC800] =	vst v63  }
0x3e: {  	_ = 	snop  }
0x3f: {  	[hbm4b:s19+s8] =	stream.strided.scatter [tilespmem:s20], [sflag:$0x1], $0x800, s9, s8, $0x38;
	[tilespmem:$0xC800] =	vst v63  }
0x40: {  	s12 =	sadd.s32 $0xC000, s5  }
0x41: {  	[hbm4b:s12+s8] =	stream.strided.scatter [tilespmem:s21], [sflag:$0x1], $0x800, s9, s8, $0x38;
	[tilespmem:$0xC800] =	vst v63  }
0x42: {  	s14 =	sadd.s32 $0xE000, s5  }
0x43: {  	[hbm4b:s14+s8] =	stream.strided.scatter [tilespmem:s22], [sflag:$0x1], $0x800, s9, s8, $0x38;
	[tilespmem:$0xC800] =	vst v63  }
0x44: {  	s16 =	sadd.s32 $0x10000, s5  }
0x45: {  	[hbm4b:s16+s8] =	stream.strided.scatter [tilespmem:s23], [sflag:$0x1], $0x800, s9, s8, $0x38;
	[tilespmem:$0xC800] =	vst v63  }
0x46: {  	s18 =	sadd.s32 $0x12000, s5  }
0x47: {  	[hbm4b:s18+s8] =	stream.strided.scatter [tilespmem:s24], [sflag:$0x1], $0x800, s9, s8, $0x38;
	[tilespmem:$0xC800] =	vst v63  }
0x48: {  	s2 =	sadd.s32 $0x14000, s5  }
0x49: {  	[hbm4b:s2+s8] =	stream.strided.scatter [tilespmem:s25], [sflag:$0x1], $0x800, s9, s8, $0x38;
	[tilespmem:$0xC800] =	vst v63  }
0x4a: {  	s10 =	sadd.s32 $0x16000, s5  }
0x4b: {  	[hbm4b:s10+s8] =	stream.strided.scatter [tilespmem:s26], [sflag:$0x1], $0x800, s9, s8, $0x38;
	[tilespmem:$0xC800] =	vst v63  }
0x4c: {  	s12 =	sadd.s32 $0x18000, s5  }
0x4d: {  	[hbm4b:s12+s8] =	stream.strided.scatter [tilespmem:s28], [sflag:$0x1], $0x800, s9, s8, $0x38;
	[tilespmem:$0xC800] =	vst v63  }
0x4e: {  	s0 =	sadd.s32 $0x1, s0;
	s14 =	sadd.s32 $0x1A000, s5  }
0x4f: {  	[hbm4b:s14+s8] =	stream.strided.scatter [tilespmem:s29], [sflag:$0x1], $0x800, s9, s8, $0x38;
	[tilespmem:$0xC800] =	vst v63  }
0x50: {  	p0 =	sne.s32 s0, s6;
	s16 =	sadd.s32 $0x1C000, s5  }
0x51: {  	[hbm4b:s16+s8] =	stream.strided.scatter [tilespmem:s30], [sflag:$0x1], $0x800, s9, s8, $0x38;
	[tilespmem:$0xC800] =	vst v63  }
.Ltmp1:
0x52: {  	s18 =	sadd.s32 $0x1E000, s5;
	(pc) =	sbr.rel @p0 .LBB2_1-.Ltmp1, $4  }
0x53: {  	[hbm4b:s18+s8] =	stream.strided.scatter [tilespmem:s31], [sflag:$0x1], $0x800, s9, s8, $0x38;
	[tilespmem:$0xC800] =	vst v63  }
0x54: {  	_ =	swait.ge [sflag:s7], $0x8000  }
0x55: {  	[sflag:s7] =	ssyncset.done $0x0  }
0x56: {  	[sflag:s7] =	ssyncadd.s32 $0xFFFF8000  }
0x57: {  	_ =	sfence.sel $0x180000  }
0x58: {  	[bflag:$0x0] =	sbarrier.arrive $0xFFFF  }
0x59: {  	_ =	strace $0x90000047  }
0x5a: {  	s0 =	stileid.u32;
	[bflag:$0x2] =	sbarrier.arrive $0xFFFF  }
0x5b: {  	p0 =	sne.s32 s0, $0x0;
	s0 =	rddreg [dreg:$0x3]  }
0x5c: {  	s0 =	sadd.s32 @!p0 $0x100000, s0  }
0x5d: {  	[sflag:s0] =	ssyncadd.tile.s32 @!p0 $0x1;
	_ =	shalt  }
.Lfunc_end2:
_tile_overlayer_lowered:
.L_overlay_start_2:
0x5e: {  	(tag) =	ssettag $0x2  }
0x5f: {  	s0 =	rddreg [dreg:$0x0];
	s2 =	stileid.u32  }
0x60: {  	s1 =	rddreg [dreg:$0x1];
	p0 =	sne.s32 s2, $0x0  }
0x61: {  	s3 =	rddreg [dreg:$0x2];
	[bflag:$0x3] =	sbarrier.arrive $0xFFFF;
	s2 =	simm.s32 @!p0 $0x1C01  }
0x62: {  	[timem:s3], [sflag:s2] =	dma.local @!p0 [hbm:s0], s1  }
0x63: {  	s0 =	simm.s32 @!p0 $0x1  }
0x64: {  	_ =	swait.ge @!p0 [sflag:s0], s1  }
0x65: {  	s1 =	ssub.s32 @!p0 $0x0, s1;
	[sflag:s0] =	ssyncset.done @!p0 $0x0  }
0x66: {  	[sflag:s0] =	ssyncadd.s32 @!p0 s1  }
0x67: {  	[bflag:$0x3] =	sbarrier.arrive $0xFFFF  }
0x68: {  	_ =	shalt  }

</sc_bundles>
